<compile_context>
chip_gen: v7x
topology: tpu7x:2x2x1
jax: 0.10.2.dev20260603
libtpu: 0.0.44.dev20260713+nightly
codegen_flags: <defaults>
</compile_context>

<pallas_src>
import functools

import jax
import jax.numpy as jnp
from jax import lax
from jax.experimental import pallas as pl
from jax.experimental.pallas import tpu as pltpu
from jax.experimental.pallas import tpu_sc as plsc

N = 10000
K = 20
EC = 64
_RB = 400
_EB = _RB * K
_CH = 4
_NCHUNK = N // _CH
_NW = 32



def _knn_body(xr_ref, xall_ref, idx_ref, *, f):
    xr = xr_ref[:, :f]
    xall = xall_ref[:, :f]
    sq_c = jnp.sum(xall * xall, axis=1)
    sq_r = jnp.sum(xr * xr, axis=1)
    dot = lax.dot_general(xr, xall, (((1,), (1,)), ((), ())),
                          preferred_element_type=jnp.float32)
    d2 = sq_r[:, None] + sq_c[None, :] - 2.0 * dot
    big = jnp.int32(2**30)
    inf = jnp.float32(jnp.inf)
    t_slots = 4
    nchunks = N // 128
    nmain = nchunks * 128
    lane = lax.broadcasted_iota(jnp.int32, (d2.shape[0], 128), 1)
    vs = [jnp.full((d2.shape[0], 128), inf, jnp.float32) for _ in range(t_slots)]
    cs = [jnp.zeros((d2.shape[0], 128), jnp.int32) for _ in range(t_slots)]
    pad = jnp.full((d2.shape[0], nmain + 128 - N), inf, jnp.float32)
    for c in range(nchunks + 1):
        if c < nchunks:
            e = d2[:, c * 128:(c + 1) * 128]
        else:
            e = jnp.concatenate([d2[:, nmain:], pad], axis=1)
        ci = jnp.int32(c)
        b = [e < vs[k] for k in range(t_slots)]
        for k in range(t_slots - 1, 0, -1):
            vs[k] = jnp.where(b[k], jnp.where(b[k - 1], vs[k - 1], e), vs[k])
            cs[k] = jnp.where(b[k], jnp.where(b[k - 1], cs[k - 1], ci), cs[k])
        vs[0] = jnp.where(b[0], e, vs[0])
        cs[0] = jnp.where(b[0], ci, cs[0])
    vcand = jnp.concatenate(vs, axis=1)
    ccand = jnp.concatenate([c_ * 128 + lane for c_ in cs], axis=1)
    for t in range(K):
        m = jnp.min(vcand, axis=1)
        cand = jnp.where(vcand == m[:, None], ccand, big)
        am = jnp.min(cand, axis=1)
        idx_ref[:, t] = am
        vcand = jnp.where(ccand == am[:, None], inf, vcand)


def _knn(xpad, f):
    return pl.pallas_call(
        functools.partial(_knn_body, f=f),
        grid=(N // _RB,),
        in_specs=[
            pl.BlockSpec((_RB, 128), lambda i: (i, 0)),
            pl.BlockSpec((N, 128), lambda i: (0, 0)),
        ],
        out_specs=pl.BlockSpec((_RB, K), lambda i: (i, 0)),
        out_shape=jax.ShapeDtypeStruct((N, K), jnp.int32),
    )(xpad, xpad)



def _sc_gather_body(idx_hbm, x_hbm, out_hbm, idx_v, rows_v, sem):
    wid = lax.axis_index("s") * 2 + lax.axis_index("c")
    nch = (_NCHUNK - wid + _NW - 1) // _NW

    def body(g, carry):
        ck = wid + _NW * g
        pltpu.sync_copy(idx_hbm.at[pl.ds(ck * (_CH * K), _CH * K)], idx_v)
        pltpu.async_copy(x_hbm.at[idx_v], rows_v, sem).wait()
        pltpu.sync_copy(rows_v, out_hbm.at[pl.ds(ck * (_CH * K), _CH * K)])
        return carry

    lax.fori_loop(0, nch, body, jnp.int32(0))


@functools.cache
def _sc_gather_kernel():
    mesh = plsc.VectorSubcoreMesh(core_axis_name="c", subcore_axis_name="s")
    return functools.partial(
        pl.kernel, _sc_gather_body, mesh=mesh,
        out_type=jax.ShapeDtypeStruct((N * K, 128), jnp.float32),
        scratch_types=[
            pltpu.VMEM((_CH * K,), jnp.int32),
            pltpu.VMEM((_CH * K, 128), jnp.float32),
            pltpu.SemaphoreType.DMA,
        ],
    )()


def _sc_gather(idx_flat, xpad):
    return _sc_gather_kernel()(idx_flat, xpad)



def _edge_body(x_ref, xj_ref, w_ref, h_ref, st_ref, *, f):
    xb = x_ref[:, :f]
    xi = jnp.broadcast_to(xb[:, None, :], (_RB, K, f)).reshape(_EB, f)
    xj = xj_ref[:, :f]
    feat = jnp.concatenate([xi, xj - xi], axis=-1)
    h = lax.dot_general(feat, w_ref[...], (((1,), (1,)), ((), ())),
                        preferred_element_type=jnp.float32)
    h_ref[...] = h
    s = jnp.sum(h, axis=0, keepdims=True)
    s2 = jnp.sum(h * h, axis=0, keepdims=True)
    st_ref[...] = jnp.concatenate([s, s2], axis=0).reshape(1, 2, EC)


def _edge(xpad, xj, w, f):
    return pl.pallas_call(
        functools.partial(_edge_body, f=f),
        grid=(N // _RB,),
        in_specs=[
            pl.BlockSpec((_RB, 128), lambda i: (i, 0)),
            pl.BlockSpec((_EB, 128), lambda i: (i, 0)),
            pl.BlockSpec((EC, 2 * f), lambda i: (0, 0)),
        ],
        out_specs=[
            pl.BlockSpec((_EB, EC), lambda i: (i, 0)),
            pl.BlockSpec((1, 2, EC), lambda i: (i, 0, 0)),
        ],
        out_shape=[
            jax.ShapeDtypeStruct((N * K, EC), jnp.float32),
            jax.ShapeDtypeStruct((N // _RB, 2, EC), jnp.float32),
        ],
    )(xpad, xj, w)



def _coef_body(st_ref, g_ref, b_ref, out_ref):
    sums = jnp.sum(st_ref[...], axis=0)
    cnt = jnp.float32(N * K)
    mu = sums[0:1, :] / cnt
    var = sums[1:2, :] / cnt - mu * mu
    a = g_ref[...] / jnp.sqrt(var + 1e-5)
    bb = b_ref[...] - mu * a
    out_ref[...] = jnp.concatenate([a, bb], axis=0)


def _coef(st, gamma, beta):
    return pl.pallas_call(
        _coef_body,
        out_shape=jax.ShapeDtypeStruct((2, EC), jnp.float32),
    )(st, gamma.reshape(1, EC), beta.reshape(1, EC))



def _apply_body(h_ref, coef_ref, o_ref):
    a = coef_ref[0:1, :]
    b = coef_ref[1:2, :]
    z = h_ref[...] * a + b
    l = jnp.where(z >= 0, z, 0.2 * z)
    y = jnp.mean(l.reshape(_RB, K, EC), axis=1)
    o_ref[...] = jnp.concatenate(
        [y, jnp.zeros((_RB, 128 - EC), jnp.float32)], axis=1)


def _apply(h, coef):
    return pl.pallas_call(
        _apply_body,
        grid=(N // _RB,),
        in_specs=[
            pl.BlockSpec((_EB, EC), lambda i: (i, 0)),
            pl.BlockSpec((2, EC), lambda i: (0, 0)),
        ],
        out_specs=pl.BlockSpec((_RB, 128), lambda i: (i, 0)),
        out_shape=jax.ShapeDtypeStruct((N, 128), jnp.float32),
    )(h, coef)



def _head_kernel(x1_ref, x2_ref, x3_ref, wc_ref, wm1_ref, bm1_ref, gm1_ref,
                 bbm1_ref, wm2_ref, bm2_ref, gm2_ref, bbm2_ref, wclf_ref,
                 bclf_ref, out_ref, feat_ref):
    eps = 1e-5
    cat = jnp.concatenate(
        [x1_ref[:, :EC], x2_ref[:, :EC], x3_ref[:, :EC]], axis=-1)
    wfold = jnp.dot(wm1_ref[...], wc_ref[...],
                    preferred_element_type=jnp.float32)
    a = jnp.dot(cat, wfold.T, preferred_element_type=jnp.float32) + bm1_ref[...]
    mu = jnp.mean(a, axis=0)
    var = jnp.mean((a - mu) ** 2, axis=0)
    h1 = (a - mu) / jnp.sqrt(var + eps) * gm1_ref[...] + bbm1_ref[...]
    h1 = jnp.where(h1 >= 0, h1, 0.2 * h1)
    b = jnp.dot(h1, wm2_ref[...].T, preferred_element_type=jnp.float32) + bm2_ref[...]
    mu2 = jnp.mean(b, axis=0)
    var2 = jnp.mean((b - mu2) ** 2, axis=0)
    f = (b - mu2) / jnp.sqrt(var2 + eps) * gm2_ref[...] + bbm2_ref[...]
    f = jnp.where(f >= 0, f, 0.2 * f)
    feat_ref[...] = f
    out_ref[...] = (jnp.dot(f, wclf_ref[...].T, preferred_element_type=jnp.float32)
                    + bclf_ref[...])


def _head(x1, x2, x3, p):
    out_shapes = (
        jax.ShapeDtypeStruct((N, 2), jnp.float32),
        jax.ShapeDtypeStruct((N, 128), jnp.float32),
    )
    return pl.pallas_call(
        _head_kernel,
        out_shape=out_shapes,
    )(x1, x2, x3, p["Wc"], p["Wm1"], p["bm1"], p["gm1"], p["bbm1"],
      p["Wm2"], p["bm2"], p["gm2"], p["bbm2"], p["Wclf"], p["bclf"])



def _edge_conv(xpad, w, gamma, beta, f):
    idx = _knn(xpad, f)
    xj = _sc_gather(idx.reshape(-1), xpad)
    h, st = _edge(xpad, xj, w, f)
    coef = _coef(st, gamma, beta)
    return _apply(h, coef)


def kernel(x, params):
    p = params
    x1 = _edge_conv(x, p["W1"], p["g1"], p["b1"], 128)
    x2 = _edge_conv(x1, p["W2"], p["g2"], p["b2"], EC)
    x3 = _edge_conv(x2, p["W3"], p["g3"], p["b3"], EC)
    return _head(x1, x2, x3, p)

# --- scband reference (transcript-rebuilt; emitter-appended) ---
"""Pipeline reference for scband-dynamic-graph-classification-34677565948080 (READ-ONLY COPY).

The authoritative reference and input builder live on the scoring server;
editing this copy changes nothing except your own understanding.
"""

import jax, jax.numpy as jnp
import numpy as np

N = 10000
IN_DIM = 128
K = 20
EC = 64
CONCAT_DIM = 512
DIM1 = 256
DIM2 = 128
OUT_DIM = 2


def _lin(key, out_d, in_d):
    return (jax.random.normal(key, (out_d, in_d), dtype=jnp.float32) / np.sqrt(in_d)).astype(jnp.float32)


def setup_inputs(seed: int = 0):
    key = jax.random.key(seed)
    ks = jax.random.split(key, 16)
    x = jax.random.normal(ks[0], (N, IN_DIM), dtype=jnp.float32)
    params = {
        "W1": _lin(ks[1], EC, IN_DIM * 2),
        "g1": jnp.ones((EC,), jnp.float32), "b1": jnp.zeros((EC,), jnp.float32),
        "W2": _lin(ks[2], EC, EC * 2),
        "g2": jnp.ones((EC,), jnp.float32), "b2": jnp.zeros((EC,), jnp.float32),
        "W3": _lin(ks[3], EC, EC * 2),
        "g3": jnp.ones((EC,), jnp.float32), "b3": jnp.zeros((EC,), jnp.float32),
        "Wc": _lin(ks[4], CONCAT_DIM, EC * 3),
        "Wm1": _lin(ks[5], DIM1, CONCAT_DIM), "bm1": jnp.zeros((DIM1,), jnp.float32),
        "gm1": jnp.ones((DIM1,), jnp.float32), "bbm1": jnp.zeros((DIM1,), jnp.float32),
        "Wm2": _lin(ks[6], DIM2, DIM1), "bm2": jnp.zeros((DIM2,), jnp.float32),
        "gm2": jnp.ones((DIM2,), jnp.float32), "bbm2": jnp.zeros((DIM2,), jnp.float32),
        "Wclf": _lin(ks[7], OUT_DIM, DIM2), "bclf": jnp.zeros((OUT_DIM,), jnp.float32),
    }
    return {"x": x, "params": params}


def _leaky(v):
    return jnp.where(v >= 0, v, 0.2 * v)


def _bn(h, gamma, beta, eps=1e-5):
    # BatchNorm1d, training-mode batch statistics (biased variance, like torch)
    mean = jnp.mean(h, axis=0)
    var = jnp.var(h, axis=0)
    return (h - mean) / jnp.sqrt(var + eps) * gamma + beta


def _knn_idx(x, k):
    # dynamic kNN graph (includes self, as in torch_cluster.knn with y==x)
    sq = jnp.sum(x * x, axis=1)
    d2 = sq[:, None] + sq[None, :] - 2.0 * (x @ x.T)
    _, idx = jax.lax.top_k(-jax.lax.stop_gradient(d2), k)
    return idx


def _edge_conv(x, W, gamma, beta, k=K):
    idx = _knn_idx(x, k)                      # [N, k] neighbor indices
    xj = jnp.take(x, idx, axis=0)             # gather: [N, k, F]
    xi = jnp.broadcast_to(x[:, None, :], xj.shape)
    feat = jnp.concatenate([xi, xj - xi], axis=-1)   # [N, k, 2F]
    h = feat.reshape(-1, feat.shape[-1]) @ W.T       # message MLP (no bias)
    h = _leaky(_bn(h, gamma, beta))
    return h.reshape(x.shape[0], k, -1).mean(axis=1)  # aggr='mean'


def reference(x, params):
    p = params
    x1 = _edge_conv(x, p["W1"], p["g1"], p["b1"])
    x2 = _edge_conv(x1, p["W2"], p["g2"], p["b2"])
    x3 = _edge_conv(x2, p["W3"], p["g3"], p["b3"])
    h = jnp.concatenate([x1, x2, x3], axis=-1)
    h = h @ p["Wc"].T
    h1 = _leaky(_bn(h @ p["Wm1"].T + p["bm1"], p["gm1"], p["bbm1"]))
    # dropout is identity in eval/deterministic mode
    feature = _leaky(_bn(h1 @ p["Wm2"].T + p["bm2"], p["gm2"], p["bbm2"]))
    out = feature @ p["Wclf"].T + p["bclf"]
    return (out, feature)

if __name__ == "__main__":
    import jax
    _d = setup_inputs()
    print(jax.jit(kernel)(*tuple(_d.values())))

</pallas_src>

<mosaic_0001>
module attributes {stable_mosaic.version = 14 : i64} {
  func.func @_head_kernel(%arg0: memref<10000x64xf32, #tpu.memory_space<vmem>>, %arg1: memref<10000x64xf32, #tpu.memory_space<vmem>>, %arg2: memref<10000x64xf32, #tpu.memory_space<vmem>>, %arg3: memref<512x192xf32, #tpu.memory_space<vmem>>, %arg4: memref<256x512xf32, #tpu.memory_space<vmem>>, %arg5: memref<256xf32, #tpu.memory_space<vmem>>, %arg6: memref<256xf32, #tpu.memory_space<vmem>>, %arg7: memref<256xf32, #tpu.memory_space<vmem>>, %arg8: memref<128x256xf32, #tpu.memory_space<vmem>>, %arg9: memref<128xf32, #tpu.memory_space<vmem>>, %arg10: memref<128xf32, #tpu.memory_space<vmem>>, %arg11: memref<128xf32, #tpu.memory_space<vmem>>, %arg12: memref<2x128xf32, #tpu.memory_space<vmem>>, %arg13: memref<2xf32, #tpu.memory_space<vmem>>, %arg14: memref<10000x2xf32, #tpu.memory_space<vmem>>, %arg15: memref<10000x128xf32, #tpu.memory_space<vmem>>) attributes {dimension_semantics = [], scalar_prefetch = 0 : i64, scratch_operands = 0 : i64, tpu.core_type = #tpu.core_type<tc>} {
    %get3A = arith.constant 0 : index
    %get3A_0 = arith.constant 0 : index
    %get3A_1 = vector.load %arg0[%get3A, %get3A_0] : memref<10000x64xf32, #tpu.memory_space<vmem>>, vector<10000x64xf32>
    %get3A_2 = arith.constant 0 : index
    %get3A_3 = arith.constant 0 : index
    %get3A_4 = vector.load %arg1[%get3A_2, %get3A_3] : memref<10000x64xf32, #tpu.memory_space<vmem>>, vector<10000x64xf32>
    %get3A_5 = arith.constant 0 : index
    %get3A_6 = arith.constant 0 : index
    %get3A_7 = vector.load %arg2[%get3A_5, %get3A_6] : memref<10000x64xf32, #tpu.memory_space<vmem>>, vector<10000x64xf32>
    %concatenate3A = tpu.concatenate %get3A_1, %get3A_4, %get3A_7 in 1 : vector<10000x64xf32>, vector<10000x64xf32>, vector<10000x64xf32> -> vector<10000x192xf32>
    %get3A_8 = arith.constant 0 : index
    %get3A_9 = arith.constant 0 : index
    %get3A_10 = vector.load %arg4[%get3A_8, %get3A_9] : memref<256x512xf32, #tpu.memory_space<vmem>>, vector<256x512xf32>
    %get3A_11 = arith.constant 0 : index
    %get3A_12 = arith.constant 0 : index
    %get3A_13 = vector.load %arg3[%get3A_11, %get3A_12] : memref<512x192xf32, #tpu.memory_space<vmem>>, vector<512x192xf32>
    %dot_general3A = arith.constant dense<0.000000e+00> : vector<256x192xf32>
    %dot_general3A_14 = tpu.matmul %get3A_10, %get3A_13, %dot_general3A {dimension_numbers = #tpu.dot_dimension_numbers<[1], [0], [0], [1], [0, 0, 1, 1], [], []>, transpose_lhs_hint = false} : vector<256x512xf32>, vector<512x192xf32>, vector<256x192xf32> -> vector<256x192xf32>
    %transpose3A = tpu.transpose %dot_general3A_14, [1, 0] : vector<256x192xf32> -> vector<192x256xf32>
    %dot_general3A_15 = arith.constant dense<0.000000e+00> : vector<10000x256xf32>
    %dot_general3A_16 = tpu.matmul %concatenate3A, %transpose3A, %dot_general3A_15 {dimension_numbers = #tpu.dot_dimension_numbers<[1], [0], [0], [1], [0, 0, 1, 1], [], []>, transpose_lhs_hint = false} : vector<10000x192xf32>, vector<192x256xf32>, vector<10000x256xf32> -> vector<10000x256xf32>
    %get3A_17 = arith.constant 0 : index
    %get3A_18 = vector.load %arg5[%get3A_17] : memref<256xf32, #tpu.memory_space<vmem>>, vector<256xf32>
    %broadcast_in_dim3A = vector.shape_cast %get3A_18 : vector<256xf32> to vector<1x256xf32>
    %add3A = vector.broadcast %broadcast_in_dim3A : vector<1x256xf32> to vector<10000x256xf32>
    %add3A_19 = arith.addf %dot_general3A_16, %add3A : vector<10000x256xf32>
    %reduce_sum3A = arith.constant dense<0.000000e+00> : vector<256xf32>
    %reduce_sum3A_20 = vector.multi_reduction <add>, %add3A_19, %reduce_sum3A [0] : vector<10000x256xf32> to vector<256xf32>
    %div3A = arith.constant 1.000000e+04 : f32
    %div3A_21 = vector.broadcast %div3A : f32 to vector<256xf32>
    %div3A_22 = arith.divf %reduce_sum3A_20, %div3A_21 : vector<256xf32>
    %broadcast_in_dim3A_23 = vector.shape_cast %div3A_22 : vector<256xf32> to vector<1x256xf32>
    %sub3A = vector.broadcast %broadcast_in_dim3A_23 : vector<1x256xf32> to vector<10000x256xf32>
    %sub3A_24 = arith.subf %add3A_19, %sub3A : vector<10000x256xf32>
    %integer_pow3A = arith.mulf %sub3A_24, %sub3A_24 : vector<10000x256xf32>
    %reduce_sum3A_25 = arith.constant dense<0.000000e+00> : vector<256xf32>
    %reduce_sum3A_26 = vector.multi_reduction <add>, %integer_pow3A, %reduce_sum3A_25 [0] : vector<10000x256xf32> to vector<256xf32>
    %div3A_27 = arith.constant 1.000000e+04 : f32
    %div3A_28 = vector.broadcast %div3A_27 : f32 to vector<256xf32>
    %div3A_29 = arith.divf %reduce_sum3A_26, %div3A_28 : vector<256xf32>
    %broadcast_in_dim3A_30 = vector.shape_cast %div3A_22 : vector<256xf32> to vector<1x256xf32>
    %sub3A_31 = vector.broadcast %broadcast_in_dim3A_30 : vector<1x256xf32> to vector<10000x256xf32>
    %sub3A_32 = arith.subf %add3A_19, %sub3A_31 : vector<10000x256xf32>
    %add3A_33 = arith.constant 9.99999974E-6 : f32
    %add3A_34 = vector.broadcast %add3A_33 : f32 to vector<256xf32>
    %add3A_35 = arith.addf %div3A_29, %add3A_34 : vector<256xf32>
    %sqrt3A = math.sqrt %add3A_35 : vector<256xf32>
    %broadcast_in_dim3A_36 = vector.shape_cast %sqrt3A : vector<256xf32> to vector<1x256xf32>
    %div3A_37 = vector.broadcast %broadcast_in_dim3A_36 : vector<1x256xf32> to vector<10000x256xf32>
    %div3A_38 = arith.divf %sub3A_32, %div3A_37 : vector<10000x256xf32>
    %get3A_39 = arith.constant 0 : index
    %get3A_40 = vector.load %arg6[%get3A_39] : memref<256xf32, #tpu.memory_space<vmem>>, vector<256xf32>
    %broadcast_in_dim3A_41 = vector.shape_cast %get3A_40 : vector<256xf32> to vector<1x256xf32>
    %mul3A = vector.broadcast %broadcast_in_dim3A_41 : vector<1x256xf32> to vector<10000x256xf32>
    %mul3A_42 = arith.mulf %div3A_38, %mul3A : vector<10000x256xf32>
    %get3A_43 = arith.constant 0 : index
    %get3A_44 = vector.load %arg7[%get3A_43] : memref<256xf32, #tpu.memory_space<vmem>>, vector<256xf32>
    %broadcast_in_dim3A_45 = vector.shape_cast %get3A_44 : vector<256xf32> to vector<1x256xf32>
    %add3A_46 = vector.broadcast %broadcast_in_dim3A_45 : vector<1x256xf32> to vector<10000x256xf32>
    %add3A_47 = arith.addf %mul3A_42, %add3A_46 : vector<10000x256xf32>
    %ge3A = arith.constant 0.000000e+00 : f32
    %ge3A_48 = vector.broadcast %ge3A : f32 to vector<10000x256xf32>
    %ge3A_49 = arith.cmpf oge, %add3A_47, %ge3A_48 : vector<10000x256xf32>
    %mul3A_50 = arith.constant 2.000000e-01 : f32
    %mul3A_51 = vector.broadcast %mul3A_50 : f32 to vector<10000x256xf32>
    %mul3A_52 = arith.mulf %mul3A_51, %add3A_47 : vector<10000x256xf32>
    %select_n3A = arith.select %ge3A_49, %add3A_47, %mul3A_52 : vector<10000x256xi1>, vector<10000x256xf32>
    %get3A_53 = arith.constant 0 : index
    %get3A_54 = arith.constant 0 : index
    %get3A_55 = vector.load %arg8[%get3A_53, %get3A_54] : memref<128x256xf32, #tpu.memory_space<vmem>>, vector<128x256xf32>
    %transpose3A_56 = tpu.transpose %get3A_55, [1, 0] : vector<128x256xf32> -> vector<256x128xf32>
    %dot_general3A_57 = arith.constant dense<0.000000e+00> : vector<10000x128xf32>
    %dot_general3A_58 = tpu.matmul %select_n3A, %transpose3A_56, %dot_general3A_57 {dimension_numbers = #tpu.dot_dimension_numbers<[1], [0], [0], [1], [0, 0, 1, 1], [], []>, transpose_lhs_hint = false} : vector<10000x256xf32>, vector<256x128xf32>, vector<10000x128xf32> -> vector<10000x128xf32>
    %get3A_59 = arith.constant 0 : index
    %get3A_60 = vector.load %arg9[%get3A_59] : memref<128xf32, #tpu.memory_space<vmem>>, vector<128xf32>
    %broadcast_in_dim3A_61 = vector.shape_cast %get3A_60 : vector<128xf32> to vector<1x128xf32>
    %add3A_62 = vector.broadcast %broadcast_in_dim3A_61 : vector<1x128xf32> to vector<10000x128xf32>
    %add3A_63 = arith.addf %dot_general3A_58, %add3A_62 : vector<10000x128xf32>
    %reduce_sum3A_64 = arith.constant dense<0.000000e+00> : vector<128xf32>
    %reduce_sum3A_65 = vector.multi_reduction <add>, %add3A_63, %reduce_sum3A_64 [0] : vector<10000x128xf32> to vector<128xf32>
    %div3A_66 = arith.constant 1.000000e+04 : f32
    %div3A_67 = vector.broadcast %div3A_66 : f32 to vector<128xf32>
    %div3A_68 = arith.divf %reduce_sum3A_65, %div3A_67 : vector<128xf32>
    %broadcast_in_dim3A_69 = vector.shape_cast %div3A_68 : vector<128xf32> to vector<1x128xf32>
    %sub3A_70 = vector.broadcast %broadcast_in_dim3A_69 : vector<1x128xf32> to vector<10000x128xf32>
    %sub3A_71 = arith.subf %add3A_63, %sub3A_70 : vector<10000x128xf32>
    %integer_pow3A_72 = arith.mulf %sub3A_71, %sub3A_71 : vector<10000x128xf32>
    %reduce_sum3A_73 = arith.constant dense<0.000000e+00> : vector<128xf32>
    %reduce_sum3A_74 = vector.multi_reduction <add>, %integer_pow3A_72, %reduce_sum3A_73 [0] : vector<10000x128xf32> to vector<128xf32>
    %div3A_75 = arith.constant 1.000000e+04 : f32
    %div3A_76 = vector.broadcast %div3A_75 : f32 to vector<128xf32>
    %div3A_77 = arith.divf %reduce_sum3A_74, %div3A_76 : vector<128xf32>
    %broadcast_in_dim3A_78 = vector.shape_cast %div3A_68 : vector<128xf32> to vector<1x128xf32>
    %sub3A_79 = vector.broadcast %broadcast_in_dim3A_78 : vector<1x128xf32> to vector<10000x128xf32>
    %sub3A_80 = arith.subf %add3A_63, %sub3A_79 : vector<10000x128xf32>
    %add3A_81 = arith.constant 9.99999974E-6 : f32
    %add3A_82 = vector.broadcast %add3A_81 : f32 to vector<128xf32>
    %add3A_83 = arith.addf %div3A_77, %add3A_82 : vector<128xf32>
    %sqrt3A_84 = math.sqrt %add3A_83 : vector<128xf32>
    %broadcast_in_dim3A_85 = vector.shape_cast %sqrt3A_84 : vector<128xf32> to vector<1x128xf32>
    %div3A_86 = vector.broadcast %broadcast_in_dim3A_85 : vector<1x128xf32> to vector<10000x128xf32>
    %div3A_87 = arith.divf %sub3A_80, %div3A_86 : vector<10000x128xf32>
    %get3A_88 = arith.constant 0 : index
    %get3A_89 = vector.load %arg10[%get3A_88] : memref<128xf32, #tpu.memory_space<vmem>>, vector<128xf32>
    %broadcast_in_dim3A_90 = vector.shape_cast %get3A_89 : vector<128xf32> to vector<1x128xf32>
    %mul3A_91 = vector.broadcast %broadcast_in_dim3A_90 : vector<1x128xf32> to vector<10000x128xf32>
    %mul3A_92 = arith.mulf %div3A_87, %mul3A_91 : vector<10000x128xf32>
    %get3A_93 = arith.constant 0 : index
    %get3A_94 = vector.load %arg11[%get3A_93] : memref<128xf32, #tpu.memory_space<vmem>>, vector<128xf32>
    %broadcast_in_dim3A_95 = vector.shape_cast %get3A_94 : vector<128xf32> to vector<1x128xf32>
    %add3A_96 = vector.broadcast %broadcast_in_dim3A_95 : vector<1x128xf32> to vector<10000x128xf32>
    %add3A_97 = arith.addf %mul3A_92, %add3A_96 : vector<10000x128xf32>
    %ge3A_98 = arith.constant 0.000000e+00 : f32
    %ge3A_99 = vector.broadcast %ge3A_98 : f32 to vector<10000x128xf32>
    %ge3A_100 = arith.cmpf oge, %add3A_97, %ge3A_99 : vector<10000x128xf32>
    %mul3A_101 = arith.constant 2.000000e-01 : f32
    %mul3A_102 = vector.broadcast %mul3A_101 : f32 to vector<10000x128xf32>
    %mul3A_103 = arith.mulf %mul3A_102, %add3A_97 : vector<10000x128xf32>
    %select_n3A_104 = arith.select %ge3A_100, %add3A_97, %mul3A_103 : vector<10000x128xi1>, vector<10000x128xf32>
    %swap3A = arith.constant 0 : index
    %swap3A_105 = arith.constant 0 : index
    %swap3A_106 = vector.load %arg15[%swap3A, %swap3A_105] : memref<10000x128xf32, #tpu.memory_space<vmem>>, vector<10000x128xf32>
    tpu.vector_store %arg15[%swap3A, %swap3A_105], %select_n3A_104 {strides = array<i32>} : memref<10000x128xf32, #tpu.memory_space<vmem>>, vector<10000x128xf32>,
    %get3A_107 = arith.constant 0 : index
    %get3A_108 = arith.constant 0 : index
    %get3A_109 = vector.load %arg12[%get3A_107, %get3A_108] : memref<2x128xf32, #tpu.memory_space<vmem>>, vector<2x128xf32>
    %transpose3A_110 = tpu.transpose %get3A_109, [1, 0] : vector<2x128xf32> -> vector<128x2xf32>
    %dot_general3A_111 = arith.constant dense<0.000000e+00> : vector<10000x2xf32>
    %dot_general3A_112 = tpu.matmul %select_n3A_104, %transpose3A_110, %dot_general3A_111 {dimension_numbers = #tpu.dot_dimension_numbers<[1], [0], [0], [1], [0, 0, 1, 1], [], []>, transpose_lhs_hint = false} : vector<10000x128xf32>, vector<128x2xf32>, vector<10000x2xf32> -> vector<10000x2xf32>
    %get3A_113 = arith.constant 0 : index
    %get3A_114 = vector.load %arg13[%get3A_113] : memref<2xf32, #tpu.memory_space<vmem>>, vector<2xf32>
    %broadcast_in_dim3A_115 = vector.shape_cast %get3A_114 : vector<2xf32> to vector<1x2xf32>
    %add3A_116 = vector.broadcast %broadcast_in_dim3A_115 : vector<1x2xf32> to vector<10000x2xf32>
    %add3A_117 = arith.addf %dot_general3A_112, %add3A_116 : vector<10000x2xf32>
    %swap3A_118 = arith.constant 0 : index
    %swap3A_119 = arith.constant 0 : index
    %swap3A_120 = vector.load %arg14[%swap3A_118, %swap3A_119] : memref<10000x2xf32, #tpu.memory_space<vmem>>, vector<10000x2xf32>
    tpu.vector_store %arg14[%swap3A_118, %swap3A_119], %add3A_117 {strides = array<i32>} : memref<10000x2xf32, #tpu.memory_space<vmem>>, vector<10000x2xf32>,
    return
  }
}

</mosaic_0001>

<sc_bundles>
// kernel: sparse-core-data-format-call.cloned.1.call-start
scs
called_computation_lowered:
.L_overlay_start_0:
0x0: {  	s1 =	sld [smem:$0x3FD9]  }
0x1: {  	s2 =	sld [smem:$0x3FFE];
	_ =	sdelay $0x1  }
0x2: {  	s3 =	srdreg.scid  }
0x3: {  	s0 =	sand.u32 $0x1, s3  }
0x4: {  	s17 =	sshll.u32 s0, $0xA;
	s1 =	sadd.s32 s2, s1  }
0x5: {  	s1 =	sadd.s32 s1, s17  }
0x6: {  	[smem:$0x3FB3] =	sst s1  }
0x7: {  	_ = 	snop  }
0x8: {  	(tm) =	ssettm $0x1  }
0x9: {  	s18 =	sld [smem:$0x3FFB];
	_ =	sdelay $0x3  }
0xa: {  	_ =	strace s18  }
0xb: {  	s1 =	sld [smem:$0x3FFC];
	_ =	sdelay $0x3  }
0xc: {  	_ =	strace s1  }
0xd: {  	s1 =	sld [smem:$0x3FFD];
	_ =	sdelay $0x3  }
0xe: {  	_ =	strace s1  }
0xf: {  	_ =	strace $0x8FFFFFFF  }
0x10: {  	s19 =	sld [smem:$0x3FDB];
	_ =	sdelay $0x1  }
0x11: {  	s20 =	simm.s32 $_scs_section_size  }
0x12: {  	s4 =	simm.s32 $_size__tile_overlayer_lowered;
	s5 =	simm.s32 $_tile_overlayer_lowered  }
0x13: {  	s23 =	simm.s32 $0x1BFF;
	s22 =	sshll.u32 s5, $0x1;
	s1 =	sadd.s32 s20, s19  }
0x14: {  	s6 =	simm.s32 $0x0;
	s21 =	sshll.u32 s4, $0x1;
	s4 =	sadd.s32 s22, s1  }
0x15: {  	[timem:s6], [sflag:s23] =	dma.local [hbm:s4], s21  }
0x16: {  	_ =	swait.ge [sflag:s23], s21  }
0x17: {  	s2 =	ssub.s32 $0x0, s21;
	[sflag:s23] =	ssyncset.done $0x0  }
0x18: {  	[sflag:s23] =	ssyncadd.s32 s2;
	_ =	sdelay $0x1  }
0x19: {  	s24 =	simm.s32 $0x1B8B  }
0x1a: {  	_ =	swait.ge [sflag:s24], $0x1  }
0x1b: {  	[sflag:s24] =	ssyncset.done $0x0  }
0x1c: {  	s26 =	simm.s32 $0x1B8E;
	s25 =	sld [smem:$0x3FFE];
	[sflag:s24] =	ssyncadd.s32 $0xFFFFFFFF  }
0x1d: {  	s27 =	simm.s32 $execute0_lowered;
	[smem:$0x3FD2] =	sst s26  }
0x1e: {  	s4 =	sshll.u32 s27, $0x1;
	_ =	strace $0x80000046;
	[dreg:$0x1] =	wrdreg $0xFFFFFFFF  }
0x1f: {  	s28 =	simm.s32 $_size_execute0_lowered;
	s1 =	sadd.s32 s1, s4;
	[dreg:$0x0] =	wrdreg $0x0  }
0x20: {  	s4 =	sshll.u32 s28, $0x1;
	[dreg:$0x2] =	wrdreg s1  }
0x21: {  	[dreg:$0x3] =	wrdreg s4  }
0x22: {  	[dreg:$0x4] =	wrdreg $0xC0  }
0x23: {  	_ =	task [dreg:s6], $0x5FFFF  }
0x24: {  	[dreg:$0x1] =	wrdreg $0xFFFFFFFF  }
0x25: {  	[dreg:$0x0] =	wrdreg $0x60  }
0x26: {  	[dreg:$0x2] =	wrdreg s25  }
0x27: {  	[dreg:$0x3] =	wrdreg $0x9  }
0x28: {  	_ =	task.clear_ibuf [dreg:s6], $0x4FFFF;
	_ =	strace $0x90000046  }
0x29: {  	s29 =	simm.s32 $0x9;
	_ =	strace $0x80000048  }
0x2a: {  	_ =	swait.ge [sflag:s29], $0x1  }
0x2b: {  	[sflag:s29] =	ssyncadd.s32 $0xFFFFFFFF  }
0x2c: {  	_ =	strace $0x90000048  }
0x2d: {  	_ =	sfence  }
0x2e: {  	s30 =	sld [smem:$0x0];
	_ =	sdelay $0x2  }
0x2f: {  	s31 =	sshll.u32 s3, $0xD;
	s3 =	sshrl.u32 s3, $0x2  }
0x30: {  	s2 =	sand.u32 $0x4000, s31;
	s1 =	sadd.s32 s3, s30  }
0x31: {  	s0 =	sor.u32 s2, s0;
	s1 =	sshll.u32 s1, $0x11  }
0x32: {  	s0 =	sor.u32 s1, s0  }
0x33: {  	s0 =	sadd.s32 $0x8F2B, s0  }
0x34: {  	[sflag:s0] =	ssyncadd.remote.s32 $0x1  }
0x35: {  	_ =	sfence.sel $0xFFFF  }
0x36: {  	[dreg:$0x0] =	wrdreg $0xFFFFFFFF;
	(pc) =	sbr.abs _section_cstart, $3  }
0x37: {  	[dreg:$0x1] =	wrdreg $0xFFFFFFFF  }
0x38: {  	_ =	task.clear_ibuf [dreg:s6], $0x2FFFF;
	_ =	strace $0x9FFFFFFF  }
0x39: {  	(tm) =	ssettm $0x7FFFFFFF  }
tec
execute0_lowered:
.L_overlay_start_1:
0x0: {  	(tag) =	ssettag $0x1  }
0x1: {  	s0 =	stileid.u32;
	s1 =	srdreg.scid  }
0x2: {  	s7 =	simm.s32 $0x1;
	s8 =	simm.s32 $0x2;
	s15 =	simm.s32 $0x0  }
0x3: {  	s9 =	simm.s32 $0x800;
	s2 =	sshll.u32 s0, $0x1;
	s1 =	sshll.u32 s1, $0x5  }
0x4: {  	s10 =	simm.s32 $0x138800;
	s11 =	simm.s32 $0x0;
	s1 =	sor.u32 s2, s1  }
0x5: {  	s16 =	simm.s32 $0x0;
	s2 =	rddreg [dreg:$0x0];
	s3 =	sand.u32 $0x30, s1  }
0x6: {  	s14 =	simm.s32 $0x0;
	s1 =	rddreg [dreg:$0x1];
	s6 =	ssub.s32 $0x2710, s3  }
.Ltmp0:
0x7: {  	_ =	strace $0x80000047;
	s5 =	sand.u32 $0x30, s6;
	(pc) =	sbr.rel .LBB1_1-.Ltmp0, $4  }
0x8: {  	s4 =	sadd.s32 $0x9C4000, s2;
	s12 =	smov.u32 s3;
	p0 =	sne.s32 s5, $0x0  }
0x9: {  	s6 =	sshrl.u32 s6, $0x6;
	s5 =	simm.s32 $0x1;
	s7 =	simm.s32 @!p0 $0x0  }
0xa: {  	[sflag:s5] =	ssyncpa.u1 $0x0;
	s6 =	sadd.s32 s7, s6;
	s7 =	sand.u32 $0x7, s0  }
0xb: {  	[sflag:s8] =	ssyncpa.u1 $0x0;
	s8 =	sadd.s32 $0x1, s6;
	s13 =	smov.u32 s7  }
.LBB1_7:
0xc: {  	s17 =	sadd.s32 $0x40, s12  }
0xd: {  	s15 =	sadd.s32 $0x8, s13;
	s19 =	smov.u32 s13;
	p1 =	sgt.s32 s17, $0x270F  }
0xe: {  	s19 =	smov.u32 @p1 s15  }
0xf: {  	s17 =	smov.u32 @p1 s3;
	p1 =	sgt.s32 s19, $0x7  }
0x10: {  	s19 =	smov.u32 @p1 s7;
	p1 =	sne.s32 s14, s8  }
.Ltmp1:
0x11: {  	p0 =	slt.u32 s14, $0x2;
	(pc) =	sbr.rel @!p1 .LBB1_8-.Ltmp1, $4  }
0x12: {  	s18 =	simm.s32 @!p0 $0x2  }
0x13: {  	s16 =	smov.u32 s13;
	s11 =	sadd.s32 $0x4000, s11;
	_ =	swait.ge @!p0 [sflag:s18], $0x4000  }
0x14: {  	s15 =	smov.u32 s12;
	[sflag:s18] =	ssyncset.done @!p0 $0x0;
	s12 =	smov.u32 s17  }
0x15: {  	s14 =	sadd.s32 $0x1, s14;
	[sflag:s18] =	ssyncadd.s32 @!p0 $0xFFFFC000;
	s13 =	smov.u32 s19  }
.LBB1_1:
0x16: {  	p0 =	sge.u32 s14, s6  }
0x17: {  	s17 =	smul.u32 @!p0 $0x138800, s13  }
0x18: {  	s31 =	sadd.s32 $0xFFFFFFFF, s14;
	s18 =	sxor.u32 @!p0 $0xFFFFFFFF, s14  }
0x19: {  	s19 =	sshll.u32 @!p0 s12, $0x7;
	s18 =	sshll.u32 @!p0 s18, $0xE;
	s17 =	sadd.s32 @!p0 s4, s17  }
0x1a: {  	s18 =	sand.u32 @!p0 $0x4000, s18;
	s17 =	sadd.s32 @!p0 s19, s17;
	s19 =	simm.s32 @!p0 $0x0  }
0x1b: {  	[tilespmem:s18], [sflag:$0x1] =	stream.linear.gather @!p0 [hbm4b:s17+s19], $0x4000, $0x38;
	[tilespmem:$0x10000] =	vst v63  }
0x1c: {  	p0 =	sge.u32 s31, s6  }
.Ltmp2:
0x1d: {  	_ = 	snop;
	(pc) =	sbr.rel @p0 .LBB1_7-.Ltmp2, $1  }
0x1e: {  	_ =	sdelay $0x3  }
0x1f: {  	s17 =	sand.u32 $0x4000, s11  }
0x20: {  	_ =	swait.ge [sflag:s5], $0x4000;
	s20 =	sshll.u32 s14, $0xE;
	s18 =	sor.u32 $0x8040, s17  }
0x21: {  	s19 =	sor.u32 $0x40, s17;
	[sflag:s5] =	ssyncset.done $0x0;
	s31 =	sand.u32 $0x4000, s20  }
0x22: {  	s20 =	simm.s32 $0x0;
	[sflag:s5] =	ssyncadd.s32 $0xFFFFC000;
	s17 =	sor.u32 $0x8000, s31  }
.LBB1_3:
0x23: {  	v0 =	vmov s19;
	_ =	sdelay $0x3  }
0x24: {  	s22 =	simm.s32 $0x0  }
0x25: {  	v6 =	vld.idx.msk [tilespmem:v0+s22+$0x30 ss:$0x1], $0xffff  }
0x26: {  	v7 =	vld.idx.msk [tilespmem:v0+s22+$0xFFFFFFC0 ss:$0x1], $0xffff  }
0x27: {  	v5 =	vld.idx.msk [tilespmem:v0+s22+$0xFFFFFFD0 ss:$0x1], $0xffff  }
0x28: {  	v4 =	vld.idx.msk [tilespmem:v0+s22+$0xFFFFFFE0 ss:$0x1], $0xffff  }
0x29: {  	v3 =	vld.idx.msk [tilespmem:v0+s22+$0xFFFFFFF0 ss:$0x1], $0xffff  }
0x2a: {  	v1 =	vld.idx.msk [tilespmem:v0+s22+$0x0 ss:$0x1], $0xffff  }
0x2b: {  	v2 =	vld.idx.msk [tilespmem:v0+s22+$0x10 ss:$0x1], $0xffff;
	[tilespmem:s18+$0x30] =	vst v6  }
0x2c: {  	s21 =	simm.s32 $0x80;
	s23 =	simm.s32 $0x400;
	[tilespmem:s18+$0xFFFFFFC0] =	vst v7;
	v6 =	vld.idx.msk [tilespmem:v0+s22+$0x20 ss:$0x1], $0xffff;
	s22 =	smov.u32 s18  }
.LBB1_4:
0x2d: {  	p0 =	sne.s32 s23, $0xE00;
	v7 =	vld.idx.msk [tilespmem:v0+s21+$0x30 ss:$0x1], $0xffff;
	[tilespmem:s22+$0xFFFFFFD0] =	vst v5  }
0x2e: {  	v8 =	vld.idx.msk [tilespmem:v0+s21+$0xFFFFFFC0 ss:$0x1], $0xffff;
	[tilespmem:s22+$0xFFFFFFE0] =	vst v4  }
0x2f: {  	v5 =	vld.idx.msk [tilespmem:v0+s21+$0xFFFFFFD0 ss:$0x1], $0xffff;
	[tilespmem:s22+$0xFFFFFFF0] =	vst v3  }
.Ltmp3:
0x30: {  	v4 =	vld.idx.msk [tilespmem:v0+s21+$0xFFFFFFE0 ss:$0x1], $0xffff;
	[tilespmem:s22+$0x0] =	vst v1;
	(pc) =	sbr.rel @p0 .LBB1_4-.Ltmp3, $4  }
0x31: {  	v3 =	vld.idx.msk [tilespmem:v0+s21+$0xFFFFFFF0 ss:$0x1], $0xffff;
	[tilespmem:s22+$0x10] =	vst v2  }
0x32: {  	v1 =	vld.idx.msk [tilespmem:v0+s21+$0x0 ss:$0x1], $0xffff;
	[tilespmem:s22+$0x20] =	vst v6;
	s22 =	sadd.s32 $0x800, s22  }
0x33: {  	v2 =	vld.idx.msk [tilespmem:v0+s21+$0x10 ss:$0x1], $0xffff;
	[tilespmem:s22+$0x30] =	vst v7  }
0x34: {  	[tilespmem:s22+$0xFFFFFFC0] =	vst v8;
	v6 =	vld.idx.msk [tilespmem:v0+s21+$0x20 ss:$0x1], $0xffff;
	s21 =	sshra.s32 s23, $0x2;
	s23 =	sadd.s32 $0x200, s23  }
0x35: {  	_ =	sdelay $0x2  }
0x36: {  	[tilespmem:s22+$0xFFFFFFD0] =	vst v5  }
0x37: {  	v56 =	vld.idx.msk [tilespmem:v0+s21+$0x30 ss:$0x1], $0xffff;
	[tilespmem:s22+$0xFFFFFFE0] =	vst v4  }
0x38: {  	v57 =	vld.idx.msk [tilespmem:v0+s21+$0xFFFFFFC0 ss:$0x1], $0xffff;
	[tilespmem:s22+$0xFFFFFFF0] =	vst v3  }
0x39: {  	v58 =	vld.idx.msk [tilespmem:v0+s21+$0xFFFFFFD0 ss:$0x1], $0xffff;
	[tilespmem:s22+$0x0] =	vst v1  }
0x3a: {  	v59 =	vld.idx.msk [tilespmem:v0+s21+$0xFFFFFFE0 ss:$0x1], $0xffff;
	[tilespmem:s22+$0x10] =	vst v2  }
0x3b: {  	v60 =	vld.idx.msk [tilespmem:v0+s21+$0xFFFFFFF0 ss:$0x1], $0xffff;
	s31 =	sadd.s32 $0x800, s22;
	[tilespmem:s22+$0x20] =	vst v6  }
0x3c: {  	v61 =	vld.idx.msk [tilespmem:v0+s21+$0x0 ss:$0x1], $0xffff;
	[tilespmem:s31+$0x30] =	vst v56  }
0x3d: {  	v62 =	vld.idx.msk [tilespmem:v0+s21+$0x10 ss:$0x1], $0xffff;
	s20 =	sadd.s32 $0x1, s20;
	[tilespmem:s31+$0xFFFFFFC0] =	vst v57  }
0x3e: {  	v63 =	vld.idx.msk [tilespmem:v0+s21+$0x20 ss:$0x1], $0xffff;
	p0 =	sne.s32 s20, $0x10;
	[tilespmem:s31+$0xFFFFFFD0] =	vst v58  }
.Ltmp4:
0x3f: {  	[tilespmem:s31+$0xFFFFFFE0] =	vst v59;
	(pc) =	sbr.rel @p0 .LBB1_3-.Ltmp4, $4  }
0x40: {  	[tilespmem:s31+$0xFFFFFFF0] =	vst v60  }
0x41: {  	[tilespmem:s31+$0x0] =	vst v61  }
0x42: {  	[tilespmem:s31+$0x10] =	vst v62  }
0x43: {  	s18 =	sadd.s32 $0x80, s18;
	s19 =	sadd.s32 $0x400, s19;
	[tilespmem:s31+$0x20] =	vst v63  }
0x44: {  	s15 =	sand.u32 $0x1FFFFFF, s15  }
0x45: {  	s18 =	smulhi.u32 $0x1A36E2F, s15;
	_ =	sdelay $0x1  }
0x46: {  	s16 =	smul.u32 $0x138800, s16;
	s18 =	sshrl.u32 s18, $0x6  }
0x47: {  	s18 =	smul.u32 $0x2710, s18  }
.Ltmp5:
0x48: {  	_ = 	snop;
	(pc) =	sbr.rel .LBB1_7-.Ltmp5, $4  }
0x49: {  	s15 =	ssub.s32 s15, s18  }
0x4a: {  	s16 =	sadd.s32 s2, s16;
	s15 =	sshll.u32 s15, $0x4  }
0x4b: {  	s15 =	sadd.s32 s15, s16  }
0x4c: {  	[hbm4b:s15+s9] =	stream.strided.scatter [tilespmem:s17], [sflag:$0x2], $0x4000, s10, s9, $0x38;
	[tilespmem:$0x10000] =	vst v63  }
.LBB1_8:
0x4d: {  	_ =	sfence.sel $0x180000  }
0x4e: {  	s2 =	simm.s32 $0x1;
	[bflag:$0x0] =	sbarrier.arrive $0xFFFF  }
0x4f: {  	s31 =	simm.s32 $0x2;
	[sflag:s2] =	ssyncpa.u1 $0x1  }
0x50: {  	[sflag:s31] =	ssyncpa.u1 $0x1  }
0x51: {  	p0 =	sne.s32 s0, $0x0;
	_ =	strace $0x90000047  }
0x52: {  	s0 =	sadd.s32 @!p0 $0x100000, s1;
	[bflag:$0x2] =	sbarrier.arrive $0xFFFF  }
0x53: {  	[sflag:s0] =	ssyncadd.tile.s32 @!p0 $0x1;
	_ =	shalt  }
.Lfunc_end1:
_tile_overlayer_lowered:
.L_overlay_start_2:
0x54: {  	(tag) =	ssettag $0x2  }
0x55: {  	s0 =	rddreg [dreg:$0x0];
	s2 =	stileid.u32  }
0x56: {  	s1 =	rddreg [dreg:$0x1];
	p0 =	sne.s32 s2, $0x0  }
0x57: {  	s3 =	rddreg [dreg:$0x2];
	[bflag:$0x3] =	sbarrier.arrive $0xFFFF;
	s2 =	simm.s32 @!p0 $0x1C01  }
0x58: {  	[timem:s3], [sflag:s2] =	dma.local @!p0 [hbm:s0], s1  }
0x59: {  	s0 =	simm.s32 @!p0 $0x1  }
0x5a: {  	_ =	swait.ge @!p0 [sflag:s0], s1  }
0x5b: {  	s1 =	ssub.s32 @!p0 $0x0, s1;
	[sflag:s0] =	ssyncset.done @!p0 $0x0  }
0x5c: {  	[sflag:s0] =	ssyncadd.s32 @!p0 s1  }
0x5d: {  	[bflag:$0x3] =	sbarrier.arrive $0xFFFF  }
0x5e: {  	_ =	shalt  }

</sc_bundles>
